<compile_context>
chip_gen: v7x
topology: tpu7x:2x2x1
jax: 0.10.2.dev20260603
libtpu: 0.0.44.dev20260713+nightly
codegen_flags: <defaults>
</compile_context>

<pallas_src>
import jax
import jax.numpy as jnp
from jax import lax
from jax.experimental import pallas as pl
from jax.experimental.pallas import tpu as pltpu
from jax.experimental.pallas import tpu_sc as plsc

_B, _S, _D = 4, 8192, 1024
_M = 2048
_NC, _NS = 2, 16
_NW = _NC * _NS
_RPW = (_B * _M) // _NW
_K = 16
_NCHUNK = _RPW // _K
_NBUF = 4
_P = 2
_NGROUP = _NCHUNK // _NBUF
_WPB = _M // _RPW


def _body(x_hbm, idx_hbm, out_hbm, idx_v,
          buf0, buf1, buf2, buf3,
          gsem0, gsem1, gsem2, gsem3, ssem0, ssem1, ssem2, ssem3):
    wid = lax.axis_index("s") * _NC + lax.axis_index("c")
    base = wid * _RPW
    off = (wid // _WPB) * _S
    pltpu.sync_copy(idx_hbm.at[pl.ds(base, _RPW)], idx_v)
    bufs = (buf0, buf1, buf2, buf3)
    gsems = (gsem0, gsem1, gsem2, gsem3)
    ssems = (ssem0, ssem1, ssem2, ssem3)

    def start_gather(c, s):
        iv = idx_v[pl.ds(c * _K, _K)] + off
        pltpu.async_copy(x_hbm.at[iv], bufs[s], gsems[s])

    def wait_gather(s):
        pltpu.make_async_copy(x_hbm.at[pl.ds(0, _K)], bufs[s], gsems[s]).wait()

    def start_store(c, s):
        pltpu.async_copy(bufs[s], out_hbm.at[pl.ds(base + c * _K, _K)], ssems[s])

    def wait_store(c, s):
        pltpu.make_async_copy(bufs[s], out_hbm.at[pl.ds(base + c * _K, _K)],
                              ssems[s]).wait()

    for c0 in range(_P):
        start_gather(c0, c0 % _NBUF)

    def group(g, carry):
        for s in range(_NBUF):
            c = g * _NBUF + s
            n = c + _P
            sn = (s + _P) % _NBUF
            @pl.when(n < _NCHUNK)
            def _():
                @pl.when(n >= _NBUF)
                def _():
                    wait_store(n - _NBUF, sn)
                start_gather(n, sn)
            wait_gather(s)
            start_store(c, s)
        return carry

    lax.fori_loop(0, _NGROUP, group, 0)
    for m in range(_NCHUNK - _NBUF, _NCHUNK):
        wait_store(m, m % _NBUF)


@jax.jit
def _gather_flat(xf, idxf):
    mesh = plsc.VectorSubcoreMesh(core_axis_name="c", subcore_axis_name="s")
    f = pl.kernel(
        _body,
        mesh=mesh,
        out_type=jax.ShapeDtypeStruct((_B * _M, _D), jnp.float32),
        scratch_types=[
            pltpu.VMEM((_RPW,), jnp.int32),
            pltpu.VMEM((_K, _D), jnp.float32),
            pltpu.VMEM((_K, _D), jnp.float32),
            pltpu.VMEM((_K, _D), jnp.float32),
            pltpu.VMEM((_K, _D), jnp.float32),
            pltpu.SemaphoreType.DMA,
            pltpu.SemaphoreType.DMA,
            pltpu.SemaphoreType.DMA,
            pltpu.SemaphoreType.DMA,
            pltpu.SemaphoreType.DMA,
            pltpu.SemaphoreType.DMA,
            pltpu.SemaphoreType.DMA,
            pltpu.SemaphoreType.DMA,
        ],
    )
    return f(xf, idxf)


def kernel(x, indices_to_keep):
    idxf = indices_to_keep.astype(jnp.int32).reshape(_B * _M)
    xf = x.reshape(_B * _S, _D)
    out = _gather_flat(xf, idxf)
    return out.reshape(_B, _M, _D)

# --- scband reference (transcript-rebuilt; emitter-appended) ---
"""Pipeline reference for scband-token-reduction-layer-20658792694347 (READ-ONLY COPY).

The authoritative reference and input builder live on the scoring server;
editing this copy changes nothing except your own understanding.
"""

import jax, jax.numpy as jnp
import numpy as np

B, S, D = 4, 8192, 1024
M = 2048

def setup_inputs(seed: int = 0) -> dict:
    key = jax.random.key(seed)
    k1, k2 = jax.random.split(key)
    x = jax.random.normal(k1, (B, S, D), dtype=jnp.float32)
    # Original module uses randperm per batch row; we precompute sorted random
    # indices (the index generation is not the op under test).
    indices_to_keep = jnp.sort(jax.random.randint(k2, (B, M), 0, S), axis=-1).astype(jnp.int64)
    return {"x": x, "indices_to_keep": indices_to_keep}

def reference(x, indices_to_keep):
    # batched_index_select along dim=1: gather kept tokens per batch row
    # index: [B, M] -> expand to [B, M, D] via broadcasting in take_along_axis
    out = jnp.take_along_axis(x, indices_to_keep[:, :, None], axis=1)
    return out

if __name__ == "__main__":
    import jax
    _d = setup_inputs()
    print(jax.jit(kernel)(*tuple(_d.values())))

</pallas_src>

<mosaic_0001>
#map = affine_map<(d0, d1) -> (0, 0)>
#map1 = affine_map<(d0, d1) -> (0)>
module attributes {stable_mosaic.version = 14 : i64} {
  func.func @_body(%arg0: i32, %arg1: i32, %arg2: memref<32768x1024xf32, #tpu.memory_space<hbm>>, %arg3: memref<8192xi32, #tpu.memory_space<hbm>>, %arg4: memref<8192x1024xf32, #tpu.memory_space<hbm>>, %arg5: memref<256xi32, #tpu.memory_space<vmem>>, %arg6: memref<16x1024xf32, #tpu.memory_space<vmem>>, %arg7: memref<16x1024xf32, #tpu.memory_space<vmem>>, %arg8: memref<16x1024xf32, #tpu.memory_space<vmem>>, %arg9: memref<16x1024xf32, #tpu.memory_space<vmem>>, %arg10: memref<!tpu.dma_semaphore, #tpu.memory_space<semaphore_mem>>, %arg11: memref<!tpu.dma_semaphore, #tpu.memory_space<semaphore_mem>>, %arg12: memref<!tpu.dma_semaphore, #tpu.memory_space<semaphore_mem>>, %arg13: memref<!tpu.dma_semaphore, #tpu.memory_space<semaphore_mem>>, %arg14: memref<!tpu.dma_semaphore, #tpu.memory_space<semaphore_mem>>, %arg15: memref<!tpu.dma_semaphore, #tpu.memory_space<semaphore_mem>>, %arg16: memref<!tpu.dma_semaphore, #tpu.memory_space<semaphore_mem>>, %arg17: memref<!tpu.dma_semaphore, #tpu.memory_space<semaphore_mem>>) attributes {dimension_semantics = [#tpu.dimension_semantics<core_parallel>, #tpu.dimension_semantics<subcore_parallel>], iteration_bounds = array<i64: 2, 16>, scalar_prefetch = 0 : i64, scratch_operands = 13 : i64, tpu.core_type = #tpu.core_type<sc_vector_subcore>, window_params = [{transform_indices = #map}, {transform_indices = #map1}, {transform_indices = #map}]} {
    %mul3A = arith.constant 2 : i32
    %mul3A_0 = arith.muli %arg1, %mul3A : i32
    %add3A = arith.addi %mul3A_0, %arg0 : i32
    %mul3A_1 = arith.constant 256 : i32
    %mul3A_2 = arith.muli %add3A, %mul3A_1 : i32
    %jit3A = arith.constant 8 : i32
    %div3A = arith.divsi %add3A, %jit3A : i32
    %sign3A = arith.constant 0 : i32
    %sign3A_3 = arith.cmpi sgt, %add3A, %sign3A : i32
    %sign3A_4 = arith.extui %sign3A_3 : i1 to i32
    %sign3A_5 = arith.constant 0 : i32
    %sign3A_6 = arith.cmpi slt, %add3A, %sign3A_5 : i32
    %sign3A_7 = arith.extui %sign3A_6 : i1 to i32
    %sign3A_8 = arith.subi %sign3A_4, %sign3A_7 : i32
    %sign3A_9 = arith.constant 0 : i32
    %sign3A_10 = arith.cmpi sgt, %jit3A, %sign3A_9 : i32
    %sign3A_11 = arith.extui %sign3A_10 : i1 to i32
    %sign3A_12 = arith.constant 0 : i32
    %sign3A_13 = arith.cmpi slt, %jit3A, %sign3A_12 : i32
    %sign3A_14 = arith.extui %sign3A_13 : i1 to i32
    %sign3A_15 = arith.subi %sign3A_11, %sign3A_14 : i32
    %ne3A = arith.cmpi ne, %sign3A_8, %sign3A_15 : i32
    %rem3A = arith.remsi %add3A, %jit3A : i32
    %ne3A_16 = arith.constant 0 : i32
    %ne3A_17 = arith.cmpi ne, %rem3A, %ne3A_16 : i32
    %and3A = arith.andi %ne3A, %ne3A_17 : i1
    %sub3A = arith.constant 1 : i32
    %sub3A_18 = arith.subi %div3A, %sub3A : i32
    %select_n3A = arith.select %and3A, %sub3A_18, %div3A : i32
    %mul3A_19 = arith.constant 8192 : i32
    %mul3A_20 = arith.muli %select_n3A, %mul3A_19 : i32
    "tpu.region"() ({
      %run_scoped3A = tpu.sem_alloc : memref<!tpu.dma_semaphore, #tpu.memory_space<semaphore_mem>>
      %dma_start3A_63 = tpu.memref_slice %arg3[%mul3A_2] : memref<8192xi32, #tpu.memory_space<hbm>> -> memref<256xi32, #tpu.memory_space<hbm>>
      %dma_start3A_64 = tpu.memref_slice %arg3[%mul3A_2] : memref<8192xi32, #tpu.memory_space<hbm>> -> memref<256xi32, #tpu.memory_space<hbm>>
      tpu.enqueue_dma source(%dma_start3A_64 : memref<256xi32, #tpu.memory_space<hbm>>) target(%arg5 : memref<256xi32, #tpu.memory_space<vmem>>) target_semaphore(%run_scoped3A : memref<!tpu.dma_semaphore, #tpu.memory_space<semaphore_mem>>)
      %dma_wait3A_65 = tpu.memref_slice %arg3[%mul3A_2] : memref<8192xi32, #tpu.memory_space<hbm>> -> memref<256xi32, #tpu.memory_space<hbm>>
      %dma_wait3A_66 = tpu.memref_slice %arg3[%mul3A_2] : memref<8192xi32, #tpu.memory_space<hbm>> -> memref<256xi32, #tpu.memory_space<hbm>>
      tpu.wait_dma2 semaphore(%run_scoped3A : memref<!tpu.dma_semaphore, #tpu.memory_space<semaphore_mem>>) src(%dma_wait3A_66 : memref<256xi32, #tpu.memory_space<hbm>>) dst(%arg5 : memref<256xi32, #tpu.memory_space<vmem>>)
      tpu.yield
    }) : () -> ()
    %get3A = arith.constant 0 : index
    %get3A_21 = tpu.vector_load %arg5[%get3A] {strides = array<i32>} : memref<256xi32, #tpu.memory_space<vmem>>, vector<16xi32>,
    %get3A_22 = vector.shape_cast %get3A_21 : vector<16xi32> to vector<16xi32>
    %add3A_23 = vector.broadcast %mul3A_20 : i32 to vector<16xi32>
    %add3A_24 = arith.addi %get3A_22, %add3A_23 : vector<16xi32>
    %dma_start3A = arith.constant 0 : i32
    %dma_start3A_25 = arith.constant 0 : i32
    %dma_start3A_26 = tpu.memref_slice %arg2[%dma_start3A, %dma_start3A_25] : memref<32768x1024xf32, #tpu.memory_space<hbm>> -> memref<32768x1024xf32, #tpu.memory_space<hbm>>
    tpu.enqueue_indirect_dma source(%dma_start3A_26 : memref<32768x1024xf32, #tpu.memory_space<hbm>>) target(%arg6 : memref<16x1024xf32, #tpu.memory_space<vmem>>) offsets(%add3A_24 : vector<16xi32>) semaphore(%arg10 : memref<!tpu.dma_semaphore, #tpu.memory_space<semaphore_mem>>)
    %get3A_27 = arith.constant 16 : index
    %get3A_28 = tpu.vector_load %arg5[%get3A_27] {strides = array<i32>} : memref<256xi32, #tpu.memory_space<vmem>>, vector<16xi32>,
    %get3A_29 = vector.shape_cast %get3A_28 : vector<16xi32> to vector<16xi32>
    %add3A_30 = vector.broadcast %mul3A_20 : i32 to vector<16xi32>
    %add3A_31 = arith.addi %get3A_29, %add3A_30 : vector<16xi32>
    %dma_start3A_32 = arith.constant 0 : i32
    %dma_start3A_33 = arith.constant 0 : i32
    %dma_start3A_34 = tpu.memref_slice %arg2[%dma_start3A_32, %dma_start3A_33] : memref<32768x1024xf32, #tpu.memory_space<hbm>> -> memref<32768x1024xf32, #tpu.memory_space<hbm>>
    tpu.enqueue_indirect_dma source(%dma_start3A_34 : memref<32768x1024xf32, #tpu.memory_space<hbm>>) target(%arg7 : memref<16x1024xf32, #tpu.memory_space<vmem>>) offsets(%add3A_31 : vector<16xi32>) semaphore(%arg11 : memref<!tpu.dma_semaphore, #tpu.memory_space<semaphore_mem>>)
    %scan3A = arith.constant 0 : i32
    %scan3A_35 = arith.constant 0 : i32
    %scan3A_36 = arith.constant 4 : i32
    %scan3A_37 = arith.addi %scan3A_35, %scan3A_36 : i32
    %scan3A_38 = arith.constant 1 : i32
    scf.for %scan3A_63 = %scan3A_35 to %scan3A_37 step %scan3A_38  : i32 {
      %mul3A_64 = arith.constant 4 : i32
      %mul3A_65 = arith.muli %scan3A_63, %mul3A_64 : i32
      %add3A_66 = arith.constant 0 : i32
      %add3A_67 = arith.addi %mul3A_65, %add3A_66 : i32
      %add3A_68 = arith.constant 2 : i32
      %add3A_69 = arith.addi %add3A_67, %add3A_68 : i32
      %lt3A = arith.constant 16 : i32
      %lt3A_70 = arith.cmpi slt, %add3A_69, %lt3A : i32
      %convert_element_type3A = arith.extui %lt3A_70 : i1 to i32
      %cond3A = arith.constant 0 : i32
      %cond3A_71 = arith.cmpi ne, %convert_element_type3A, %cond3A : i32
      scf.if %cond3A_71 {
        %ge3A = arith.constant 4 : i32
        %ge3A_157 = arith.cmpi sge, %add3A_69, %ge3A : i32
        %convert_element_type3A_158 = arith.extui %ge3A_157 : i1 to i32
        %cond3A_159 = arith.constant 0 : i32
        %cond3A_160 = arith.cmpi ne, %convert_element_type3A_158, %cond3A_159 : i32
        scf.if %cond3A_160 {
          %sub3A_171 = arith.constant 4 : i32
          %sub3A_172 = arith.subi %add3A_69, %sub3A_171 : i32
          %mul3A_173 = arith.constant 16 : i32
          %mul3A_174 = arith.muli %sub3A_172, %mul3A_173 : i32
          %add3A_175 = arith.addi %mul3A_2, %mul3A_174 : i32
          %dma_wait3A_176 = arith.constant 0 : i32
          %dma_wait3A_177 = tpu.memref_slice %arg4[%add3A_175, %dma_wait3A_176] : memref<8192x1024xf32, #tpu.memory_space<hbm>> -> memref<16x1024xf32, #tpu.memory_space<hbm>>
          %dma_wait3A_178 = arith.constant 0 : i32
          %dma_wait3A_179 = tpu.memref_slice %arg4[%add3A_175, %dma_wait3A_178] : memref<8192x1024xf32, #tpu.memory_space<hbm>> -> memref<16x1024xf32, #tpu.memory_space<hbm>>
          tpu.wait_dma2 semaphore(%arg16 : memref<!tpu.dma_semaphore, #tpu.memory_space<semaphore_mem>>) src(%arg8 : memref<16x1024xf32, #tpu.memory_space<vmem>>) dst(%dma_wait3A_179 : memref<16x1024xf32, #tpu.memory_space<hbm>>)
        } else {
        }
        %mul3A_161 = arith.constant 16 : i32
        %mul3A_162 = arith.muli %add3A_69, %mul3A_161 : i32
        %get3A_163 = arith.index_cast %mul3A_162 : i32 to index
        %get3A_164 = tpu.vector_load %arg5[%get3A_163] {strides = array<i32>} : memref<256xi32, #tpu.memory_space<vmem>>, vector<16xi32>,
        %get3A_165 = vector.shape_cast %get3A_164 : vector<16xi32> to vector<16xi32>
        %add3A_166 = vector.broadcast %mul3A_20 : i32 to vector<16xi32>
        %add3A_167 = arith.addi %get3A_165, %add3A_166 : vector<16xi32>
        %dma_start3A_168 = arith.constant 0 : i32
        %dma_start3A_169 = arith.constant 0 : i32
        %dma_start3A_170 = tpu.memref_slice %arg2[%dma_start3A_168, %dma_start3A_169] : memref<32768x1024xf32, #tpu.memory_space<hbm>> -> memref<32768x1024xf32, #tpu.memory_space<hbm>>
        tpu.enqueue_indirect_dma source(%dma_start3A_170 : memref<32768x1024xf32, #tpu.memory_space<hbm>>) target(%arg8 : memref<16x1024xf32, #tpu.memory_space<vmem>>) offsets(%add3A_167 : vector<16xi32>) semaphore(%arg12 : memref<!tpu.dma_semaphore, #tpu.memory_space<semaphore_mem>>)
      } else {
      }
      %dma_wait3A_72 = arith.constant 0 : i32
      %dma_wait3A_73 = arith.constant 0 : i32
      %dma_wait3A_74 = tpu.memref_slice %arg2[%dma_wait3A_72, %dma_wait3A_73] : memref<32768x1024xf32, #tpu.memory_space<hbm>> -> memref<16x1024xf32, #tpu.memory_space<hbm>>
      %dma_wait3A_75 = arith.constant 0 : i32
      %dma_wait3A_76 = arith.constant 0 : i32
      %dma_wait3A_77 = tpu.memref_slice %arg2[%dma_wait3A_75, %dma_wait3A_76] : memref<32768x1024xf32, #tpu.memory_space<hbm>> -> memref<16x1024xf32, #tpu.memory_space<hbm>>
      tpu.wait_dma2 semaphore(%arg10 : memref<!tpu.dma_semaphore, #tpu.memory_space<semaphore_mem>>) src(%dma_wait3A_77 : memref<16x1024xf32, #tpu.memory_space<hbm>>) dst(%arg6 : memref<16x1024xf32, #tpu.memory_space<vmem>>)
      %mul3A_78 = arith.constant 16 : i32
      %mul3A_79 = arith.muli %add3A_67, %mul3A_78 : i32
      %add3A_80 = arith.addi %mul3A_2, %mul3A_79 : i32
      %dma_start3A_81 = arith.constant 0 : i32
      %dma_start3A_82 = tpu.memref_slice %arg4[%add3A_80, %dma_start3A_81] : memref<8192x1024xf32, #tpu.memory_space<hbm>> -> memref<16x1024xf32, #tpu.memory_space<hbm>>
      %dma_start3A_83 = arith.constant 0 : i32
      %dma_start3A_84 = tpu.memref_slice %arg4[%add3A_80, %dma_start3A_83] : memref<8192x1024xf32, #tpu.memory_space<hbm>> -> memref<16x1024xf32, #tpu.memory_space<hbm>>
      tpu.enqueue_dma source(%arg6 : memref<16x1024xf32, #tpu.memory_space<vmem>>) target(%dma_start3A_84 : memref<16x1024xf32, #tpu.memory_space<hbm>>) target_semaphore(%arg14 : memref<!tpu.dma_semaphore, #tpu.memory_space<semaphore_mem>>)
      %mul3A_85 = arith.constant 4 : i32
      %mul3A_86 = arith.muli %scan3A_63, %mul3A_85 : i32
      %add3A_87 = arith.constant 1 : i32
      %add3A_88 = arith.addi %mul3A_86, %add3A_87 : i32
      %add3A_89 = arith.constant 2 : i32
      %add3A_90 = arith.addi %add3A_88, %add3A_89 : i32
      %lt3A_91 = arith.constant 16 : i32
      %lt3A_92 = arith.cmpi slt, %add3A_90, %lt3A_91 : i32
      %convert_element_type3A_93 = arith.extui %lt3A_92 : i1 to i32
      %cond3A_94 = arith.constant 0 : i32
      %cond3A_95 = arith.cmpi ne, %convert_element_type3A_93, %cond3A_94 : i32
      scf.if %cond3A_95 {
        %ge3A = arith.constant 4 : i32
        %ge3A_157 = arith.cmpi sge, %add3A_90, %ge3A : i32
        %convert_element_type3A_158 = arith.extui %ge3A_157 : i1 to i32
        %cond3A_159 = arith.constant 0 : i32
        %cond3A_160 = arith.cmpi ne, %convert_element_type3A_158, %cond3A_159 : i32
        scf.if %cond3A_160 {
          %sub3A_171 = arith.constant 4 : i32
          %sub3A_172 = arith.subi %add3A_90, %sub3A_171 : i32
          %mul3A_173 = arith.constant 16 : i32
          %mul3A_174 = arith.muli %sub3A_172, %mul3A_173 : i32
          %add3A_175 = arith.addi %mul3A_2, %mul3A_174 : i32
          %dma_wait3A_176 = arith.constant 0 : i32
          %dma_wait3A_177 = tpu.memref_slice %arg4[%add3A_175, %dma_wait3A_176] : memref<8192x1024xf32, #tpu.memory_space<hbm>> -> memref<16x1024xf32, #tpu.memory_space<hbm>>
          %dma_wait3A_178 = arith.constant 0 : i32
          %dma_wait3A_179 = tpu.memref_slice %arg4[%add3A_175, %dma_wait3A_178] : memref<8192x1024xf32, #tpu.memory_space<hbm>> -> memref<16x1024xf32, #tpu.memory_space<hbm>>
          tpu.wait_dma2 semaphore(%arg17 : memref<!tpu.dma_semaphore, #tpu.memory_space<semaphore_mem>>) src(%arg9 : memref<16x1024xf32, #tpu.memory_space<vmem>>) dst(%dma_wait3A_179 : memref<16x1024xf32, #tpu.memory_space<hbm>>)
        } else {
        }
        %mul3A_161 = arith.constant 16 : i32
        %mul3A_162 = arith.muli %add3A_90, %mul3A_161 : i32
        %get3A_163 = arith.index_cast %mul3A_162 : i32 to index
        %get3A_164 = tpu.vector_load %arg5[%get3A_163] {strides = array<i32>} : memref<256xi32, #tpu.memory_space<vmem>>, vector<16xi32>,
        %get3A_165 = vector.shape_cast %get3A_164 : vector<16xi32> to vector<16xi32>
        %add3A_166 = vector.broadcast %mul3A_20 : i32 to vector<16xi32>
        %add3A_167 = arith.addi %get3A_165, %add3A_166 : vector<16xi32>
        %dma_start3A_168 = arith.constant 0 : i32
        %dma_start3A_169 = arith.constant 0 : i32
        %dma_start3A_170 = tpu.memref_slice %arg2[%dma_start3A_168, %dma_start3A_169] : memref<32768x1024xf32, #tpu.memory_space<hbm>> -> memref<32768x1024xf32, #tpu.memory_space<hbm>>
        tpu.enqueue_indirect_dma source(%dma_start3A_170 : memref<32768x1024xf32, #tpu.memory_space<hbm>>) target(%arg9 : memref<16x1024xf32, #tpu.memory_space<vmem>>) offsets(%add3A_167 : vector<16xi32>) semaphore(%arg13 : memref<!tpu.dma_semaphore, #tpu.memory_space<semaphore_mem>>)
      } else {
      }
      %dma_wait3A_96 = arith.constant 0 : i32
      %dma_wait3A_97 = arith.constant 0 : i32
      %dma_wait3A_98 = tpu.memref_slice %arg2[%dma_wait3A_96, %dma_wait3A_97] : memref<32768x1024xf32, #tpu.memory_space<hbm>> -> memref<16x1024xf32, #tpu.memory_space<hbm>>
      %dma_wait3A_99 = arith.constant 0 : i32
      %dma_wait3A_100 = arith.constant 0 : i32
      %dma_wait3A_101 = tpu.memref_slice %arg2[%dma_wait3A_99, %dma_wait3A_100] : memref<32768x1024xf32, #tpu.memory_space<hbm>> -> memref<16x1024xf32, #tpu.memory_space<hbm>>
      tpu.wait_dma2 semaphore(%arg11 : memref<!tpu.dma_semaphore, #tpu.memory_space<semaphore_mem>>) src(%dma_wait3A_101 : memref<16x1024xf32, #tpu.memory_space<hbm>>) dst(%arg7 : memref<16x1024xf32, #tpu.memory_space<vmem>>)
      %mul3A_102 = arith.constant 16 : i32
      %mul3A_103 = arith.muli %add3A_88, %mul3A_102 : i32
      %add3A_104 = arith.addi %mul3A_2, %mul3A_103 : i32
      %dma_start3A_105 = arith.constant 0 : i32
      %dma_start3A_106 = tpu.memref_slice %arg4[%add3A_104, %dma_start3A_105] : memref<8192x1024xf32, #tpu.memory_space<hbm>> -> memref<16x1024xf32, #tpu.memory_space<hbm>>
      %dma_start3A_107 = arith.constant 0 : i32
      %dma_start3A_108 = tpu.memref_slice %arg4[%add3A_104, %dma_start3A_107] : memref<8192x1024xf32, #tpu.memory_space<hbm>> -> memref<16x1024xf32, #tpu.memory_space<hbm>>
      tpu.enqueue_dma source(%arg7 : memref<16x1024xf32, #tpu.memory_space<vmem>>) target(%dma_start3A_108 : memref<16x1024xf32, #tpu.memory_space<hbm>>) target_semaphore(%arg15 : memref<!tpu.dma_semaphore, #tpu.memory_space<semaphore_mem>>)
      %mul3A_109 = arith.constant 4 : i32
      %mul3A_110 = arith.muli %scan3A_63, %mul3A_109 : i32
      %add3A_111 = arith.constant 2 : i32
      %add3A_112 = arith.addi %mul3A_110, %add3A_111 : i32
      %add3A_113 = arith.constant 2 : i32
      %add3A_114 = arith.addi %add3A_112, %add3A_113 : i32
      %lt3A_115 = arith.constant 16 : i32
      %lt3A_116 = arith.cmpi slt, %add3A_114, %lt3A_115 : i32
      %convert_element_type3A_117 = arith.extui %lt3A_116 : i1 to i32
      %cond3A_118 = arith.constant 0 : i32
      %cond3A_119 = arith.cmpi ne, %convert_element_type3A_117, %cond3A_118 : i32
      scf.if %cond3A_119 {
        %ge3A = arith.constant 4 : i32
        %ge3A_157 = arith.cmpi sge, %add3A_114, %ge3A : i32
        %convert_element_type3A_158 = arith.extui %ge3A_157 : i1 to i32
        %cond3A_159 = arith.constant 0 : i32
        %cond3A_160 = arith.cmpi ne, %convert_element_type3A_158, %cond3A_159 : i32
        scf.if %cond3A_160 {
          %sub3A_171 = arith.constant 4 : i32
          %sub3A_172 = arith.subi %add3A_114, %sub3A_171 : i32
          %mul3A_173 = arith.constant 16 : i32
          %mul3A_174 = arith.muli %sub3A_172, %mul3A_173 : i32
          %add3A_175 = arith.addi %mul3A_2, %mul3A_174 : i32
          %dma_wait3A_176 = arith.constant 0 : i32
          %dma_wait3A_177 = tpu.memref_slice %arg4[%add3A_175, %dma_wait3A_176] : memref<8192x1024xf32, #tpu.memory_space<hbm>> -> memref<16x1024xf32, #tpu.memory_space<hbm>>
          %dma_wait3A_178 = arith.constant 0 : i32
          %dma_wait3A_179 = tpu.memref_slice %arg4[%add3A_175, %dma_wait3A_178] : memref<8192x1024xf32, #tpu.memory_space<hbm>> -> memref<16x1024xf32, #tpu.memory_space<hbm>>
          tpu.wait_dma2 semaphore(%arg14 : memref<!tpu.dma_semaphore, #tpu.memory_space<semaphore_mem>>) src(%arg6 : memref<16x1024xf32, #tpu.memory_space<vmem>>) dst(%dma_wait3A_179 : memref<16x1024xf32, #tpu.memory_space<hbm>>)
        } else {
        }
        %mul3A_161 = arith.constant 16 : i32
        %mul3A_162 = arith.muli %add3A_114, %mul3A_161 : i32
        %get3A_163 = arith.index_cast %mul3A_162 : i32 to index
        %get3A_164 = tpu.vector_load %arg5[%get3A_163] {strides = array<i32>} : memref<256xi32, #tpu.memory_space<vmem>>, vector<16xi32>,
        %get3A_165 = vector.shape_cast %get3A_164 : vector<16xi32> to vector<16xi32>
        %add3A_166 = vector.broadcast %mul3A_20 : i32 to vector<16xi32>
        %add3A_167 = arith.addi %get3A_165, %add3A_166 : vector<16xi32>
        %dma_start3A_168 = arith.constant 0 : i32
        %dma_start3A_169 = arith.constant 0 : i32
        %dma_start3A_170 = tpu.memref_slice %arg2[%dma_start3A_168, %dma_start3A_169] : memref<32768x1024xf32, #tpu.memory_space<hbm>> -> memref<32768x1024xf32, #tpu.memory_space<hbm>>
        tpu.enqueue_indirect_dma source(%dma_start3A_170 : memref<32768x1024xf32, #tpu.memory_space<hbm>>) target(%arg6 : memref<16x1024xf32, #tpu.memory_space<vmem>>) offsets(%add3A_167 : vector<16xi32>) semaphore(%arg10 : memref<!tpu.dma_semaphore, #tpu.memory_space<semaphore_mem>>)
      } else {
      }
      %dma_wait3A_120 = arith.constant 0 : i32
      %dma_wait3A_121 = arith.constant 0 : i32
      %dma_wait3A_122 = tpu.memref_slice %arg2[%dma_wait3A_120, %dma_wait3A_121] : memref<32768x1024xf32, #tpu.memory_space<hbm>> -> memref<16x1024xf32, #tpu.memory_space<hbm>>
      %dma_wait3A_123 = arith.constant 0 : i32
      %dma_wait3A_124 = arith.constant 0 : i32
      %dma_wait3A_125 = tpu.memref_slice %arg2[%dma_wait3A_123, %dma_wait3A_124] : memref<32768x1024xf32, #tpu.memory_space<hbm>> -> memref<16x1024xf32, #tpu.memory_space<hbm>>
      tpu.wait_dma2 semaphore(%arg12 : memref<!tpu.dma_semaphore, #tpu.memory_space<semaphore_mem>>) src(%dma_wait3A_125 : memref<16x1024xf32, #tpu.memory_space<hbm>>) dst(%arg8 : memref<16x1024xf32, #tpu.memory_space<vmem>>)
      %mul3A_126 = arith.constant 16 : i32
      %mul3A_127 = arith.muli %add3A_112, %mul3A_126 : i32
      %add3A_128 = arith.addi %mul3A_2, %mul3A_127 : i32
      %dma_start3A_129 = arith.constant 0 : i32
      %dma_start3A_130 = tpu.memref_slice %arg4[%add3A_128, %dma_start3A_129] : memref<8192x1024xf32, #tpu.memory_space<hbm>> -> memref<16x1024xf32, #tpu.memory_space<hbm>>
      %dma_start3A_131 = arith.constant 0 : i32
      %dma_start3A_132 = tpu.memref_slice %arg4[%add3A_128, %dma_start3A_131] : memref<8192x1024xf32, #tpu.memory_space<hbm>> -> memref<16x1024xf32, #tpu.memory_space<hbm>>
      tpu.enqueue_dma source(%arg8 : memref<16x1024xf32, #tpu.memory_space<vmem>>) target(%dma_start3A_132 : memref<16x1024xf32, #tpu.memory_space<hbm>>) target_semaphore(%arg16 : memref<!tpu.dma_semaphore, #tpu.memory_space<semaphore_mem>>)
      %mul3A_133 = arith.constant 4 : i32
      %mul3A_134 = arith.muli %scan3A_63, %mul3A_133 : i32
      %add3A_135 = arith.constant 3 : i32
      %add3A_136 = arith.addi %mul3A_134, %add3A_135 : i32
      %add3A_137 = arith.constant 2 : i32
      %add3A_138 = arith.addi %add3A_136, %add3A_137 : i32
      %lt3A_139 = arith.constant 16 : i32
      %lt3A_140 = arith.cmpi slt, %add3A_138, %lt3A_139 : i32
      %convert_element_type3A_141 = arith.extui %lt3A_140 : i1 to i32
      %cond3A_142 = arith.constant 0 : i32
      %cond3A_143 = arith.cmpi ne, %convert_element_type3A_141, %cond3A_142 : i32
      scf.if %cond3A_143 {
        %ge3A = arith.constant 4 : i32
        %ge3A_157 = arith.cmpi sge, %add3A_138, %ge3A : i32
        %convert_element_type3A_158 = arith.extui %ge3A_157 : i1 to i32
        %cond3A_159 = arith.constant 0 : i32
        %cond3A_160 = arith.cmpi ne, %convert_element_type3A_158, %cond3A_159 : i32
        scf.if %cond3A_160 {
          %sub3A_171 = arith.constant 4 : i32
          %sub3A_172 = arith.subi %add3A_138, %sub3A_171 : i32
          %mul3A_173 = arith.constant 16 : i32
          %mul3A_174 = arith.muli %sub3A_172, %mul3A_173 : i32
          %add3A_175 = arith.addi %mul3A_2, %mul3A_174 : i32
          %dma_wait3A_176 = arith.constant 0 : i32
          %dma_wait3A_177 = tpu.memref_slice %arg4[%add3A_175, %dma_wait3A_176] : memref<8192x1024xf32, #tpu.memory_space<hbm>> -> memref<16x1024xf32, #tpu.memory_space<hbm>>
          %dma_wait3A_178 = arith.constant 0 : i32
          %dma_wait3A_179 = tpu.memref_slice %arg4[%add3A_175, %dma_wait3A_178] : memref<8192x1024xf32, #tpu.memory_space<hbm>> -> memref<16x1024xf32, #tpu.memory_space<hbm>>
          tpu.wait_dma2 semaphore(%arg15 : memref<!tpu.dma_semaphore, #tpu.memory_space<semaphore_mem>>) src(%arg7 : memref<16x1024xf32, #tpu.memory_space<vmem>>) dst(%dma_wait3A_179 : memref<16x1024xf32, #tpu.memory_space<hbm>>)
        } else {
        }
        %mul3A_161 = arith.constant 16 : i32
        %mul3A_162 = arith.muli %add3A_138, %mul3A_161 : i32
        %get3A_163 = arith.index_cast %mul3A_162 : i32 to index
        %get3A_164 = tpu.vector_load %arg5[%get3A_163] {strides = array<i32>} : memref<256xi32, #tpu.memory_space<vmem>>, vector<16xi32>,
        %get3A_165 = vector.shape_cast %get3A_164 : vector<16xi32> to vector<16xi32>
        %add3A_166 = vector.broadcast %mul3A_20 : i32 to vector<16xi32>
        %add3A_167 = arith.addi %get3A_165, %add3A_166 : vector<16xi32>
        %dma_start3A_168 = arith.constant 0 : i32
        %dma_start3A_169 = arith.constant 0 : i32
        %dma_start3A_170 = tpu.memref_slice %arg2[%dma_start3A_168, %dma_start3A_169] : memref<32768x1024xf32, #tpu.memory_space<hbm>> -> memref<32768x1024xf32, #tpu.memory_space<hbm>>
        tpu.enqueue_indirect_dma source(%dma_start3A_170 : memref<32768x1024xf32, #tpu.memory_space<hbm>>) target(%arg7 : memref<16x1024xf32, #tpu.memory_space<vmem>>) offsets(%add3A_167 : vector<16xi32>) semaphore(%arg11 : memref<!tpu.dma_semaphore, #tpu.memory_space<semaphore_mem>>)
      } else {
      }
      %dma_wait3A_144 = arith.constant 0 : i32
      %dma_wait3A_145 = arith.constant 0 : i32
      %dma_wait3A_146 = tpu.memref_slice %arg2[%dma_wait3A_144, %dma_wait3A_145] : memref<32768x1024xf32, #tpu.memory_space<hbm>> -> memref<16x1024xf32, #tpu.memory_space<hbm>>
      %dma_wait3A_147 = arith.constant 0 : i32
      %dma_wait3A_148 = arith.constant 0 : i32
      %dma_wait3A_149 = tpu.memref_slice %arg2[%dma_wait3A_147, %dma_wait3A_148] : memref<32768x1024xf32, #tpu.memory_space<hbm>> -> memref<16x1024xf32, #tpu.memory_space<hbm>>
      tpu.wait_dma2 semaphore(%arg13 : memref<!tpu.dma_semaphore, #tpu.memory_space<semaphore_mem>>) src(%dma_wait3A_149 : memref<16x1024xf32, #tpu.memory_space<hbm>>) dst(%arg9 : memref<16x1024xf32, #tpu.memory_space<vmem>>)
      %mul3A_150 = arith.constant 16 : i32
      %mul3A_151 = arith.muli %add3A_136, %mul3A_150 : i32
      %add3A_152 = arith.addi %mul3A_2, %mul3A_151 : i32
      %dma_start3A_153 = arith.constant 0 : i32
      %dma_start3A_154 = tpu.memref_slice %arg4[%add3A_152, %dma_start3A_153] : memref<8192x1024xf32, #tpu.memory_space<hbm>> -> memref<16x1024xf32, #tpu.memory_space<hbm>>
      %dma_start3A_155 = arith.constant 0 : i32
      %dma_start3A_156 = tpu.memref_slice %arg4[%add3A_152, %dma_start3A_155] : memref<8192x1024xf32, #tpu.memory_space<hbm>> -> memref<16x1024xf32, #tpu.memory_space<hbm>>
      tpu.enqueue_dma source(%arg9 : memref<16x1024xf32, #tpu.memory_space<vmem>>) target(%dma_start3A_156 : memref<16x1024xf32, #tpu.memory_space<hbm>>) target_semaphore(%arg17 : memref<!tpu.dma_semaphore, #tpu.memory_space<semaphore_mem>>)
    }
    %scan3A_39 = arith.constant 4 : i32
    %add3A_40 = arith.constant 192 : i32
    %add3A_41 = arith.addi %mul3A_2, %add3A_40 : i32
    %dma_wait3A = arith.constant 0 : i32
    %dma_wait3A_42 = tpu.memref_slice %arg4[%add3A_41, %dma_wait3A] : memref<8192x1024xf32, #tpu.memory_space<hbm>> -> memref<16x1024xf32, #tpu.memory_space<hbm>>
    %dma_wait3A_43 = arith.constant 0 : i32
    %dma_wait3A_44 = tpu.memref_slice %arg4[%add3A_41, %dma_wait3A_43] : memref<8192x1024xf32, #tpu.memory_space<hbm>> -> memref<16x1024xf32, #tpu.memory_space<hbm>>
    tpu.wait_dma2 semaphore(%arg14 : memref<!tpu.dma_semaphore, #tpu.memory_space<semaphore_mem>>) src(%arg6 : memref<16x1024xf32, #tpu.memory_space<vmem>>) dst(%dma_wait3A_44 : memref<16x1024xf32, #tpu.memory_space<hbm>>)
    %add3A_45 = arith.constant 208 : i32
    %add3A_46 = arith.addi %mul3A_2, %add3A_45 : i32
    %dma_wait3A_47 = arith.constant 0 : i32
    %dma_wait3A_48 = tpu.memref_slice %arg4[%add3A_46, %dma_wait3A_47] : memref<8192x1024xf32, #tpu.memory_space<hbm>> -> memref<16x1024xf32, #tpu.memory_space<hbm>>
    %dma_wait3A_49 = arith.constant 0 : i32
    %dma_wait3A_50 = tpu.memref_slice %arg4[%add3A_46, %dma_wait3A_49] : memref<8192x1024xf32, #tpu.memory_space<hbm>> -> memref<16x1024xf32, #tpu.memory_space<hbm>>
    tpu.wait_dma2 semaphore(%arg15 : memref<!tpu.dma_semaphore, #tpu.memory_space<semaphore_mem>>) src(%arg7 : memref<16x1024xf32, #tpu.memory_space<vmem>>) dst(%dma_wait3A_50 : memref<16x1024xf32, #tpu.memory_space<hbm>>)
    %add3A_51 = arith.constant 224 : i32
    %add3A_52 = arith.addi %mul3A_2, %add3A_51 : i32
    %dma_wait3A_53 = arith.constant 0 : i32
    %dma_wait3A_54 = tpu.memref_slice %arg4[%add3A_52, %dma_wait3A_53] : memref<8192x1024xf32, #tpu.memory_space<hbm>> -> memref<16x1024xf32, #tpu.memory_space<hbm>>
    %dma_wait3A_55 = arith.constant 0 : i32
    %dma_wait3A_56 = tpu.memref_slice %arg4[%add3A_52, %dma_wait3A_55] : memref<8192x1024xf32, #tpu.memory_space<hbm>> -> memref<16x1024xf32, #tpu.memory_space<hbm>>
    tpu.wait_dma2 semaphore(%arg16 : memref<!tpu.dma_semaphore, #tpu.memory_space<semaphore_mem>>) src(%arg8 : memref<16x1024xf32, #tpu.memory_space<vmem>>) dst(%dma_wait3A_56 : memref<16x1024xf32, #tpu.memory_space<hbm>>)
    %add3A_57 = arith.constant 240 : i32
    %add3A_58 = arith.addi %mul3A_2, %add3A_57 : i32
    %dma_wait3A_59 = arith.constant 0 : i32
    %dma_wait3A_60 = tpu.memref_slice %arg4[%add3A_58, %dma_wait3A_59] : memref<8192x1024xf32, #tpu.memory_space<hbm>> -> memref<16x1024xf32, #tpu.memory_space<hbm>>
    %dma_wait3A_61 = arith.constant 0 : i32
    %dma_wait3A_62 = tpu.memref_slice %arg4[%add3A_58, %dma_wait3A_61] : memref<8192x1024xf32, #tpu.memory_space<hbm>> -> memref<16x1024xf32, #tpu.memory_space<hbm>>
    tpu.wait_dma2 semaphore(%arg17 : memref<!tpu.dma_semaphore, #tpu.memory_space<semaphore_mem>>) src(%arg9 : memref<16x1024xf32, #tpu.memory_space<vmem>>) dst(%dma_wait3A_62 : memref<16x1024xf32, #tpu.memory_space<hbm>>)
    return
  }
}

</mosaic_0001>

<sc_bundles>
// kernel: _gather_flat.3.cloned.1.call-start
scs
__scs_entry_jumppad:
0x0: {  	(pc) =	sbr.rel $0x88, $3  }
0x1: {  	(tag) =	ssettag $0x0;
	lr =	simm.s32 $0x1  }
0x2: {  	[smem:$0x3F9F] =	sst lr;
	_ =	strace $0xD0000000  }
0x3: {  	_ = 	snop  }
0x4: {  	_ = 	snop  }
0x5: {  	_ = 	snop  }
0x6: {  	_ = 	snop  }
0x7: {  	_ = 	snop  }
__scs_overlays_trampoline_lowered:
0x8: {  	[smem:$0x3FAE] =	sst s0  }
0x9: {  	[smem:$0x3FAF] =	sst s1  }
0xa: {  	[smem:$0x3FB0] =	sst s2  }
0xb: {  	[smem:$0x3FB1] =	sst s3  }
0xc: {  	[smem:$0x3FB2] =	sst s4  }
0xd: {  	[smem:$0x3FB3] =	sst s5  }
0xe: {  	[smem:$0x3FB4] =	sst s6  }
0xf: {  	[smem:$0x3FB5] =	sst s7  }
0x10: {  	[smem:$0x3FB6] =	sst s8  }
0x11: {  	[smem:$0x3FB7] =	sst s9;
	s0 =	simm.s32 @!p0 $0x0  }
0x12: {  	s1 =	sld [smem:$0x3F9D];
	s0 =	simm.s32 @p0 $0x1  }
0x13: {  	[smem:$0x3FB8] =	sst s0;
	s0 =	simm.s32 @!p1 $0x0  }
0x14: {  	s2 =	sld [smem:$0x3F9C];
	s0 =	simm.s32 @p1 $0x1  }
0x15: {  	[smem:$0x3FB9] =	sst s0;
	s0 =	simm.s32 @!p2 $0x0  }
0x16: {  	s3 =	sld [smem:$0x3FDB];
	s0 =	simm.s32 @p2 $0x1  }
0x17: {  	s4 =	simm.s32 $0x1BF5;
	[smem:$0x3FBB] =	sst s0  }
0x18: {  	s0 =	sld [smem:$0x3F9E];
	_ =	swait.ge [sflag:s4], $0x0  }
0x19: {  	s7 =	sld [smem:$0x3F9F]  }
0x1a: {  	s8 =	sadd.s32 $0xFFFFE003, lr  }
0x1b: {  	s9 =	sadd.s32 $0xFFFFFEF7, lr;
	s5 =	simm.s32 $0xFFFFFFFF;
	p2 =	slt.u32 s8, $0xFFFFF086  }
0x1c: {  	p1 =	slt.u32 s9, $0xF7A;
	s5 =	simm.s32 @!p2 $0x0  }
0x1d: {  	s5 =	simm.s32 @p1 $0x1;
	p0 =	seq.s32 s7, s2  }
0x1e: {  	s7 =	smul.u32 @!p0 $0xF7A, s2;
	p2 =	seq.s32 @!p0 s5, $0x0  }
0x1f: {  	s9 =	smul.u32 $0xF7A, s1;
	s8 =	simm.s32 @!p0 $0x1BF5;
	p2 =	por !p2, p0  }
0x20: {  	[sflag:s8] =	ssyncset.s32 @!p0 $0xFFFFF086;
	s6 =	sadd.s32 @!p0 s3, s7;
	s7 =	simm.s32 @!p0 $0x108  }
0x21: {  	s3 =	sadd.s32 s3, s9;
	s6 =	sadd.s32 @!p0 $0x88, s6;
	s7 =	simm.s32 @p2 $0x1082  }
0x22: {  	[simem:s7], [sflag:s8] =	dma.local @!p0 [hbm:s6], $0xF7A  }
0x23: {  	s9 =	sor.u32 $0xD0000000, s2;
	s6 =	simm.s32 $0x108;
	_ =	swait.ge @!p0 [sflag:s8], $0x0  }
0x24: {  	s3 =	sadd.s32 $0x88, s3;
	s6 =	simm.s32 @!p1 $0x1082;
	[sflag:s4] =	ssyncset.s32 $0xFFFFF086  }
0x25: {  	[simem:s6], [sflag:s4] =	dma.local [hbm:s3], $0xF7A  }
0x26: {  	[smem:$0x3F9F] =	sst s1;
	(tag) =	ssettag s2;
	_ =	strace s9  }
0x27: {  	s1 =	sld [smem:$0x3FAF]  }
0x28: {  	s2 =	sld [smem:$0x3FB0]  }
0x29: {  	s4 =	sld [smem:$0x3FB2]  }
0x2a: {  	p0 =	seq.s32 s5, $0x0;
	s5 =	sld [smem:$0x3FB3]  }
0x2b: {  	s6 =	sld [smem:$0x3FB4]  }
0x2c: {  	s7 =	sld [smem:$0x3FB5]  }
0x2d: {  	s3 =	simm.s32 $0x108;
	s8 =	sld [smem:$0x3FB6]  }
0x2e: {  	s3 =	simm.s32 @!p0 $0x1082;
	s9 =	sld [smem:$0x3FB7]  }
0x2f: {  	lr =	sadd.s32 s0, s3;
	s0 =	sld [smem:$0x3FAE]  }
0x30: {  	s3 =	sld [smem:$0x3FB1]  }
0x31: {  	[smem:$0x3FBA] =	sst s10  }
0x32: {  	s10 =	sld [smem:$0x3FB8];
	_ =	sdelay $0x3  }
0x33: {  	p0 =	seq.s32 s10, $0x1;
	s10 =	sld [smem:$0x3FBA];
	_ =	sdelay $0x3  }
0x34: {  	[smem:$0x3FBA] =	sst s10  }
0x35: {  	s10 =	sld [smem:$0x3FB9];
	_ =	sdelay $0x3  }
0x36: {  	p1 =	seq.s32 s10, $0x1;
	s10 =	sld [smem:$0x3FBA];
	_ =	sdelay $0x3  }
0x37: {  	[smem:$0x3FBA] =	sst s10  }
0x38: {  	s10 =	sld [smem:$0x3FBB]  }
0x39: {  	_ = 	snop;
	(pc) =	sbr.ind lr, $3  }
0x3a: {  	_ = 	snop  }
0x3b: {  	_ = 	snop  }
0x3c: {  	p2 =	seq.s32 s10, $0x1;
	s10 =	sld [smem:$0x3FBA]  }
0x3d: {  	_ =	shalt  }
0x3e: {  	_ =	shalt  }
0x3f: {  	_ =	shalt  }
0x40: {  	_ =	shalt  }
0x41: {  	_ =	shalt  }
0x42: {  	_ =	shalt  }
0x43: {  	_ =	shalt  }
0x44: {  	_ =	shalt  }
0x45: {  	_ =	shalt  }
0x46: {  	_ =	shalt  }
0x47: {  	_ =	shalt  }
0x48: {  	_ =	shalt  }
0x49: {  	_ =	shalt  }
0x4a: {  	_ =	shalt  }
0x4b: {  	_ =	shalt  }
0x4c: {  	_ =	shalt  }
0x4d: {  	_ =	shalt  }
0x4e: {  	_ =	shalt  }
0x4f: {  	_ =	shalt  }
0x50: {  	_ =	shalt  }
0x51: {  	_ =	shalt  }
0x52: {  	_ =	shalt  }
0x53: {  	_ =	shalt  }
0x54: {  	_ =	shalt  }
0x55: {  	_ =	shalt  }
0x56: {  	_ =	shalt  }
0x57: {  	_ =	shalt  }
0x58: {  	_ =	shalt  }
0x59: {  	_ =	shalt  }
0x5a: {  	_ =	shalt  }
0x5b: {  	_ =	shalt  }
0x5c: {  	_ =	shalt  }
0x5d: {  	_ =	shalt  }
0x5e: {  	_ =	shalt  }
0x5f: {  	_ =	shalt  }
0x60: {  	_ =	shalt  }
0x61: {  	_ =	shalt  }
0x62: {  	_ =	shalt  }
0x63: {  	_ =	shalt  }
0x64: {  	_ =	shalt  }
0x65: {  	_ =	shalt  }
0x66: {  	_ =	shalt  }
0x67: {  	_ =	shalt  }
0x68: {  	_ =	shalt  }
0x69: {  	_ =	shalt  }
0x6a: {  	_ =	shalt  }
0x6b: {  	_ =	shalt  }
0x6c: {  	_ =	shalt  }
0x6d: {  	_ =	shalt  }
0x6e: {  	_ =	shalt  }
0x6f: {  	_ =	shalt  }
0x70: {  	_ =	shalt  }
0x71: {  	_ =	shalt  }
0x72: {  	_ =	shalt  }
0x73: {  	_ =	shalt  }
0x74: {  	_ =	shalt  }
0x75: {  	_ =	shalt  }
0x76: {  	_ =	shalt  }
0x77: {  	_ =	shalt  }
0x78: {  	_ =	shalt  }
0x79: {  	_ =	shalt  }
0x7a: {  	_ =	shalt  }
0x7b: {  	_ =	shalt  }
0x7c: {  	_ =	shalt  }
0x7d: {  	_ =	shalt  }
0x7e: {  	_ =	shalt  }
0x7f: {  	_ =	shalt  }
0x80: {  	_ =	shalt  }
0x81: {  	_ =	shalt  }
0x82: {  	_ =	shalt  }
0x83: {  	_ =	shalt  }
0x84: {  	_ =	shalt  }
0x85: {  	_ =	shalt  }
0x86: {  	_ =	shalt  }
0x87: {  	_ =	shalt  }
.Lfunc_end0:
.L_simem_size_0:
called_computation_lowered:
.L_overlay_start_0:
0x88: {  	s2 =	sld [smem:$0x3FD9]  }
0x89: {  	s3 =	sld [smem:$0x3FFE];
	_ =	sdelay $0x1  }
0x8a: {  	s1 =	srdreg.scid  }
0x8b: {  	s0 =	sand.u32 $0x1, s1  }
0x8c: {  	s18 =	sshll.u32 s0, $0xA;
	s2 =	sadd.s32 s3, s2  }
0x8d: {  	s2 =	sadd.s32 s2, s18  }
0x8e: {  	[smem:$0x3FC6] =	sst s2  }
0x8f: {  	_ = 	snop  }
0x90: {  	s2 =	sld [smem:$0x3FC9]  }
0x91: {  	s19 =	sld [smem:$0x3FC8]  }
0x92: {  	s4 =	sld [smem:$0x3FD0];
	(tm) =	ssettm $0x1  }
0x93: {  	s5 =	sld [smem:$0x3FFB];
	_ =	sdelay $0x3  }
0x94: {  	_ =	strace s5  }
0x95: {  	s5 =	sld [smem:$0x3FFC];
	_ =	sdelay $0x3  }
0x96: {  	_ =	strace s5  }
0x97: {  	s5 =	sld [smem:$0x3FFD];
	_ =	sdelay $0x3  }
0x98: {  	_ =	strace s5  }
0x99: {  	_ =	strace $0x8FFFFFFF  }
0x9a: {  	s20 =	sld [smem:$0x3FDB];
	_ =	sdelay $0x1  }
0x9b: {  	s6 =	simm.s32 $_scs_section_size  }
0x9c: {  	s7 =	simm.s32 $_size__tile_overlayer_lowered;
	s8 =	simm.s32 $_tile_overlayer_lowered  }
0x9d: {  	s23 =	simm.s32 $0x1BFF;
	s22 =	sshll.u32 s8, $0x1;
	s5 =	sadd.s32 s6, s20  }
0x9e: {  	s9 =	simm.s32 $0x0;
	s21 =	sshll.u32 s7, $0x1;
	s7 =	sadd.s32 s22, s5  }
0x9f: {  	[timem:s9], [sflag:s23] =	dma.local [hbm:s7], s21  }
0xa0: {  	_ =	swait.ge [sflag:s23], s21  }
0xa1: {  	s6 =	ssub.s32 $0x0, s21;
	[sflag:s23] =	ssyncset.done $0x0  }
0xa2: {  	[sflag:s23] =	ssyncadd.s32 s6;
	_ =	sdelay $0x1  }
0xa3: {  	s24 =	simm.s32 $0x1B8B  }
0xa4: {  	_ =	swait.ge [sflag:s24], $0x1  }
0xa5: {  	[sflag:s24] =	ssyncset.done $0x0  }
0xa6: {  	s25 =	simm.s32 $0x1B8E;
	[sflag:s24] =	ssyncadd.s32 $0xFFFFFFFF  }
0xa7: {  	s26 =	simm.s32 $execute0_lowered;
	[smem:$0x3FD2] =	sst s25  }
0xa8: {  	s6 =	sshll.u32 s26, $0x1;
	_ =	strace $0x80000046;
	[dreg:$0x1] =	wrdreg $0xFFFFFFFF  }
0xa9: {  	s28 =	simm.s32 $_size_execute0_lowered;
	s5 =	sadd.s32 s5, s6;
	[dreg:$0x0] =	wrdreg $0x0  }
0xaa: {  	s6 =	sshll.u32 s28, $0x1;
	[dreg:$0x2] =	wrdreg s5  }
0xab: {  	[dreg:$0x3] =	wrdreg s6  }
0xac: {  	[dreg:$0x4] =	wrdreg $0xC0  }
0xad: {  	_ =	task [dreg:s9], $0x5FFFF  }
0xae: {  	[dreg:$0x1] =	wrdreg $0xFFFFFFFF  }
0xaf: {  	[dreg:$0x0] =	wrdreg $0x60  }
0xb0: {  	[dreg:$0x2] =	wrdreg s2  }
0xb1: {  	[dreg:$0x3] =	wrdreg s19  }
0xb2: {  	[dreg:$0x4] =	wrdreg s4  }
0xb3: {  	[dreg:$0x5] =	wrdreg $0x9  }
0xb4: {  	_ =	task.clear_ibuf [dreg:s9], $0x6FFFF;
	_ =	strace $0x90000046  }
0xb5: {  	s29 =	simm.s32 $0x9;
	_ =	strace $0x80000048  }
0xb6: {  	_ =	swait.ge [sflag:s29], $0x1  }
0xb7: {  	[sflag:s29] =	ssyncadd.s32 $0xFFFFFFFF  }
0xb8: {  	_ =	strace $0x90000048  }
0xb9: {  	_ =	sfence  }
0xba: {  	s30 =	sld [smem:$0x0];
	_ =	sdelay $0x2  }
0xbb: {  	s31 =	sshll.u32 s1, $0xD;
	s1 =	sshrl.u32 s1, $0x2  }
0xbc: {  	s3 =	sand.u32 $0x4000, s31;
	s1 =	sadd.s32 s1, s30  }
0xbd: {  	s0 =	sor.u32 s3, s0;
	s1 =	sshll.u32 s1, $0x11  }
0xbe: {  	s0 =	sor.u32 s1, s0  }
0xbf: {  	s0 =	sadd.s32 $0x8F2B, s0  }
0xc0: {  	[sflag:s0] =	ssyncadd.remote.s32 $0x1  }
0xc1: {  	_ =	sfence.sel $0xFFFF  }
0xc2: {  	[dreg:$0x0] =	wrdreg $0xFFFFFFFF;
	(pc) =	sbr.abs _section_cstart, $3  }
0xc3: {  	[dreg:$0x1] =	wrdreg $0xFFFFFFFF  }
0xc4: {  	_ =	task.clear_ibuf [dreg:s9], $0x2FFFF;
	_ =	strace $0x9FFFFFFF  }
0xc5: {  	(tm) =	ssettm $0x7FFFFFFF  }
tec
execute0_lowered:
.L_overlay_start_1:
0x0: {  	(tag) =	ssettag $0x1  }
0x1: {  	s1 =	rddreg [dreg:$0x0]  }
0x2: {  	s0 =	rddreg [dreg:$0x1]  }
0x3: {  	s2 =	rddreg [dreg:$0x2];
	s3 =	srdreg.scid  }
0x4: {  	s10 =	stileid.u32;
	s12 =	simm.s32 $0x100;
	s20 =	simm.s32 $0x4100  }
0x5: {  	s29 =	simm.s32 $0x8100;
	s11 =	simm.s32 $0xB900;
	s13 =	simm.s32 $0x1  }
0x6: {  	s14 =	simm.s32 $0xC100;
	s15 =	simm.s32 $0xC900;
	s16 =	simm.s32 $0xD100  }
0x7: {  	s17 =	simm.s32 $0xD900;
	s18 =	simm.s32 $0xE100;
	s19 =	simm.s32 $0xE900  }
0x8: {  	s28 =	simm.s32 $0x6;
	s30 =	simm.s32 $0x0;
	s4 =	sand.u32 $0x1, s3  }
0x9: {  	s3 =	simm.s32 $0x0;
	s7 =	sshll.u32 s10, $0x1;
	s22 =	sshll.u32 s10, $0xB  }
0xa: {  	s23 =	sshll.u32 s10, $0x10;
	s5 =	ssub.s32 $0x2, s4;
	[smem:$0x7FF] =	sst s3  }
0xb: {  	s21 =	sor.u32 s4, s7;
	s25 =	sand.u32 $0x6000, s22;
	s7 =	sadd.s32 $0x300, s1  }
0xc: {  	s24 =	sshll.u32 s4, $0xF;
	s4 =	simm.s32 $0xA900;
	s22 =	simm.s32 $0xF900  }
0xd: {  	s6 =	sshrl.u32 s5, $0x1;
	_ =	strace $0x80000047;
	s9 =	sshll.u32 s21, $0xF  }
0xe: {  	v0 =	vmov s25;
	s25 =	simm.s32 $0x4;
	s8 =	ssub.s32 s5, s6;
	s5 =	sshll.u32 s21, $0x5  }
0xf: {  	s6 =	sadd.s32 $0x200, s1;
	s9 =	sadd.s32 s9, s2;
	s21 =	simm.s32 $0xF100  }
.Ltmp0:
0x10: {  	s0 =	sadd.s32 s0, s5;
	s5 =	sadd.s32 $0x100, s1;
	(pc) =	sbr.rel .LBB2_1-.Ltmp0, $4  }
0x11: {  	s26 =	sadd.s32 $0x7000, s9;
	s31 =	smax.u32 s8, $0x1;
	[dreg:$0x4] =	wrdreg s0  }
0x12: {  	v3 =	vlaneseq.u32;
	s9 =	simm.s32 $0xB100;
	s0 =	sadd.s32 s23, s2;
	[dreg:$0x5] =	wrdreg s26  }
0x13: {  	vm0 =	vmmov $0xffff;
	v2 =	vshrl.u32 v3, $0x3;
	[dreg:$0x6] =	wrdreg s31;
	s2 =	simm.s32 $0xA100;
	s23 =	simm.s32 $0x2  }
0x14: {  	v1 =	vand.u32 $0x7, v3;
	v3 =	vor.u32 $0x8, v3;
	v2 =	vmul.u32 $0x8, v2;
	s26 =	simm.s32 $0x5;
	s10 =	sadd.s32 s24, s0;
	s24 =	simm.s32 $0x3  }
.LBB2_6:
0x15: {  	_ =	swait.ge [sflag:s26], $0x4000  }
0x16: {  	[sflag:s26] =	ssyncset.done $0x0  }
0x17: {  	[sflag:s26] =	ssyncadd.s32 $0xFFFFC000  }
0x18: {  	_ =	swait.ge [sflag:s28], $0x4000  }
0x19: {  	[sflag:s28] =	ssyncset.done $0x0  }
0x1a: {  	s0 =	simm.s32 $0x7;
	[sflag:s28] =	ssyncadd.s32 $0xFFFFC000  }
0x1b: {  	_ =	swait.ge [sflag:s0], $0x4000  }
0x1c: {  	[sflag:s0] =	ssyncset.done $0x0  }
0x1d: {  	s8 =	simm.s32 $0x8;
	[sflag:s0] =	ssyncadd.s32 $0xFFFFC000  }
0x1e: {  	_ =	swait.ge [sflag:s8], $0x4000  }
0x1f: {  	s30 =	rddreg [dreg:$0x7]  }
0x20: {  	s31 =	rddreg [dreg:$0x6];
	s30 =	sadd.s32 $0x1, s30  }
0x21: {  	p0 =	sne.s32 s30, s31  }
.Ltmp1:
0x22: {  	_ = 	snop;
	(pc) =	sbr.rel @!p0 .LBB2_7-.Ltmp1, $3  }
0x23: {  	_ =	sdelay $0x1  }
0x24: {  	[sflag:s8] =	ssyncset.done $0x0  }
0x25: {  	[sflag:s8] =	ssyncadd.s32 $0xFFFFC000  }
.LBB2_1:
0x26: {  	[dreg:$0x7] =	wrdreg s30  }
0x27: {  	s0 =	rddreg [dreg:$0x4];
	s31 =	simm.s32 $0x9  }
0x28: {  	[tilespmem:s3], [sflag:$0x9] =	stream.linear.gather [hbm4b:s0+s3], $0x100, $0x38;
	[tilespmem:$0x10100] =	vst v63  }
0x29: {  	_ =	swait.ge [sflag:s31], $0x100  }
0x2a: {  	[sflag:s31] =	ssyncset.done $0x0  }
0x2b: {  	[sflag:s31] =	ssyncadd.s32 $0xFFFFFF00  }
0x2c: {  	v4 =	vld [tilespmem:$0x0];
	_ =	sdelay $0x4  }
0x2d: {  	v5 =	vadd.s32 v0, v4  }
0x2e: {  	v5 =	vshll.u32 v5, $0x3  }
0x2f: {  	v4 =	vand.u32 $0x7, v4;
	v5 =	vand.u32 $0xFFFFFFC0, v5  }
0x30: {  	v4 =	vor.u32 v4, v5  }
0x31: {  	v5 =	vperm.xlane v4, v1;
	_ =	sdelay $0x1  }
0x32: {  	v5 =	vadd.s32 v2, v5;
	_ =	sdelay $0x4  }
0x33: {  	[tilespmem:s12], [sflag:$0x1] =	stream.indirect_vreg.gather [hbm4b:s1+s3], $0x80, v5, vm0, $0xb8;
	[tilespmem:$0x10100] =	vst v63  }
0x34: {  	s8 =	simm.s32 $0x900;
	v4 =	vperm.xlane v4, v3  }
0x35: {  	[tilespmem:s8], [sflag:$0x1] =	stream.indirect_vreg.gather [hbm4b:s5+s3], $0x80, v5, vm0, $0xb8;
	[tilespmem:$0x10100] =	vst v63  }
0x36: {  	s31 =	simm.s32 $0x1100;
	v4 =	vadd.s32 v2, v4  }
0x37: {  	[tilespmem:s31], [sflag:$0x1] =	stream.indirect_vreg.gather [hbm4b:s6+s3], $0x80, v5, vm0, $0xb8;
	[tilespmem:$0x10100] =	vst v63  }
0x38: {  	s8 =	simm.s32 $0x1900  }
0x39: {  	[tilespmem:s8], [sflag:$0x1] =	stream.indirect_vreg.gather [hbm4b:s7+s3], $0x80, v5, vm0, $0xb8;
	[tilespmem:$0x10100] =	vst v63  }
0x3a: {  	s31 =	simm.s32 $0x2100  }
0x3b: {  	[tilespmem:s31], [sflag:$0x1] =	stream.indirect_vreg.gather [hbm4b:s1+s3], $0x80, v4, vm0, $0xb8;
	[tilespmem:$0x10100] =	vst v63  }
0x3c: {  	s8 =	simm.s32 $0x2900  }
0x3d: {  	[tilespmem:s8], [sflag:$0x1] =	stream.indirect_vreg.gather [hbm4b:s5+s3], $0x80, v4, vm0, $0xb8;
	[tilespmem:$0x10100] =	vst v63  }
0x3e: {  	s31 =	simm.s32 $0x3100  }
0x3f: {  	[tilespmem:s31], [sflag:$0x1] =	stream.indirect_vreg.gather [hbm4b:s6+s3], $0x80, v4, vm0, $0xb8;
	[tilespmem:$0x10100] =	vst v63  }
0x40: {  	s8 =	simm.s32 $0x3900  }
0x41: {  	[tilespmem:s8], [sflag:$0x1] =	stream.indirect_vreg.gather [hbm4b:s7+s3], $0x80, v4, vm0, $0xb8;
	[tilespmem:$0x10100] =	vst v63  }
0x42: {  	v4 =	vld [tilespmem:$0x10];
	_ =	sdelay $0x4  }
0x43: {  	v5 =	vadd.s32 v0, v4  }
0x44: {  	v5 =	vshll.u32 v5, $0x3  }
0x45: {  	v4 =	vand.u32 $0x7, v4;
	v5 =	vand.u32 $0xFFFFFFC0, v5  }
0x46: {  	v4 =	vor.u32 v4, v5  }
0x47: {  	v5 =	vperm.xlane v4, v1;
	_ =	sdelay $0x1  }
0x48: {  	v5 =	vadd.s32 v2, v5;
	_ =	sdelay $0x4  }
0x49: {  	[tilespmem:s20], [sflag:$0x2] =	stream.indirect_vreg.gather [hbm4b:s1+s3], $0x80, v5, vm0, $0xb8;
	[tilespmem:$0x10100] =	vst v63  }
0x4a: {  	s31 =	simm.s32 $0x4900;
	v4 =	vperm.xlane v4, v3  }
0x4b: {  	[tilespmem:s31], [sflag:$0x2] =	stream.indirect_vreg.gather [hbm4b:s5+s3], $0x80, v5, vm0, $0xb8;
	[tilespmem:$0x10100] =	vst v63  }
0x4c: {  	s8 =	simm.s32 $0x5100;
	v4 =	vadd.s32 v2, v4  }
0x4d: {  	[tilespmem:s8], [sflag:$0x2] =	stream.indirect_vreg.gather [hbm4b:s6+s3], $0x80, v5, vm0, $0xb8;
	[tilespmem:$0x10100] =	vst v63  }
0x4e: {  	s31 =	simm.s32 $0x5900  }
0x4f: {  	[tilespmem:s31], [sflag:$0x2] =	stream.indirect_vreg.gather [hbm4b:s7+s3], $0x80, v5, vm0, $0xb8;
	[tilespmem:$0x10100] =	vst v63  }
0x50: {  	s8 =	simm.s32 $0x6100  }
0x51: {  	[tilespmem:s8], [sflag:$0x2] =	stream.indirect_vreg.gather [hbm4b:s1+s3], $0x80, v4, vm0, $0xb8;
	[tilespmem:$0x10100] =	vst v63  }
0x52: {  	s31 =	simm.s32 $0x6900  }
0x53: {  	[tilespmem:s31], [sflag:$0x2] =	stream.indirect_vreg.gather [hbm4b:s5+s3], $0x80, v4, vm0, $0xb8;
	[tilespmem:$0x10100] =	vst v63  }
.Ltmp2:
0x54: {  	_ = 	snop;
	(pc) =	sbr.rel .LBB2_2-.Ltmp2, $4  }
0x55: {  	s8 =	simm.s32 $0x7100  }
0x56: {  	[tilespmem:s8], [sflag:$0x2] =	stream.indirect_vreg.gather [hbm4b:s6+s3], $0x80, v4, vm0, $0xb8;
	[tilespmem:$0x10100] =	vst v63  }
0x57: {  	s30 =	simm.s32 $0x0;
	s31 =	simm.s32 $0x7900;
	s8 =	simm.s32 $0x30  }
0x58: {  	[tilespmem:s31], [sflag:$0x2] =	stream.indirect_vreg.gather [hbm4b:s7+s3], $0x80, v4, vm0, $0xb8;
	[tilespmem:$0x10100] =	vst v63  }
.LBB2_4:
0x59: {  	_ =	swait.ge [sflag:s24], $0x4000  }
0x5a: {  	[sflag:s24] =	ssyncset.done $0x0  }
0x5b: {  	s0 =	rddreg [dreg:$0x5];
	[sflag:s24] =	ssyncadd.s32 $0xFFFFC000  }
0x5c: {  	[hbm4b:s0+s3] =	stream.linear.scatter [tilespmem:s29], [sflag:$0x7], $0x4000, $0x38;
	[tilespmem:$0x10100] =	vst v63  }
.LBB2_5:
0x5d: {  	s30 =	sadd.s32 $0x2000, s30  }
0x5e: {  	p0 =	sne.s32 s30, $0x8000  }
.Ltmp3:
0x5f: {  	_ = 	snop;
	(pc) =	sbr.rel @!p0 .LBB2_6-.Ltmp3, $4  }
0x60: {  	_ =	swait.ge [sflag:s25], $0x4000  }
0x61: {  	[sflag:s25] =	ssyncset.done $0x0  }
0x62: {  	s0 =	sadd.s32 $0x1800, s31;
	s8 =	sadd.s32 $0x40, s8;
	[sflag:s25] =	ssyncadd.s32 $0xFFFFC000  }
0x63: {  	[hbm4b:s0+s3] =	stream.linear.scatter [tilespmem:s14], [sflag:$0x8], $0x4000, $0x38;
	[tilespmem:$0x10100] =	vst v63  }
.LBB2_2:
0x64: {  	p0 =	seq.s32 s30, $0x0  }
0x65: {  	s31 =	simm.s32 @!p0 $0x7  }
0x66: {  	_ =	swait.ge @!p0 [sflag:s31], $0x4000  }
0x67: {  	[sflag:s31] =	ssyncset.done @!p0 $0x0  }
0x68: {  	[sflag:s31] =	ssyncadd.s32 @!p0 $0xFFFFC000  }
0x69: {  	v4 =	vld [tilespmem:s8+$0xFFFFFFF0];
	_ =	sdelay $0x4  }
0x6a: {  	v5 =	vadd.s32 v0, v4  }
0x6b: {  	v5 =	vshll.u32 v5, $0x3  }
0x6c: {  	v4 =	vand.u32 $0x7, v4;
	v5 =	vand.u32 $0xFFFFFFC0, v5  }
0x6d: {  	v4 =	vor.u32 v4, v5  }
0x6e: {  	v5 =	vperm.xlane v4, v1;
	_ =	sdelay $0x1  }
0x6f: {  	v5 =	vadd.s32 v2, v5;
	_ =	sdelay $0x4  }
0x70: {  	[tilespmem:s29], [sflag:$0x3] =	stream.indirect_vreg.gather [hbm4b:s1+s3], $0x80, v5, vm0, $0xb8;
	[tilespmem:$0x10100] =	vst v63  }
0x71: {  	s0 =	simm.s32 $0x8900;
	v4 =	vperm.xlane v4, v3  }
0x72: {  	[tilespmem:s0], [sflag:$0x3] =	stream.indirect_vreg.gather [hbm4b:s5+s3], $0x80, v5, vm0, $0xb8;
	[tilespmem:$0x10100] =	vst v63  }
0x73: {  	v4 =	vadd.s32 v2, v4;
	s0 =	simm.s32 $0x9100  }
0x74: {  	[tilespmem:s0], [sflag:$0x3] =	stream.indirect_vreg.gather [hbm4b:s6+s3], $0x80, v5, vm0, $0xb8;
	[tilespmem:$0x10100] =	vst v63  }
0x75: {  	s0 =	simm.s32 $0x9900  }
0x76: {  	[tilespmem:s0], [sflag:$0x3] =	stream.indirect_vreg.gather [hbm4b:s7+s3], $0x80, v5, vm0, $0xb8;
	[tilespmem:$0x10100] =	vst v63  }
0x77: {  	_ = 	snop  }
0x78: {  	[tilespmem:s2], [sflag:$0x3] =	stream.indirect_vreg.gather [hbm4b:s1+s3], $0x80, v4, vm0, $0xb8;
	[tilespmem:$0x10100] =	vst v63  }
0x79: {  	_ = 	snop  }
0x7a: {  	[tilespmem:s4], [sflag:$0x3] =	stream.indirect_vreg.gather [hbm4b:s5+s3], $0x80, v4, vm0, $0xb8;
	[tilespmem:$0x10100] =	vst v63  }
0x7b: {  	_ = 	snop  }
0x7c: {  	[tilespmem:s9], [sflag:$0x3] =	stream.indirect_vreg.gather [hbm4b:s6+s3], $0x80, v4, vm0, $0xb8;
	[tilespmem:$0x10100] =	vst v63  }
0x7d: {  	_ = 	snop  }
0x7e: {  	[tilespmem:s11], [sflag:$0x3] =	stream.indirect_vreg.gather [hbm4b:s7+s3], $0x80, v4, vm0, $0xb8;
	[tilespmem:$0x10100] =	vst v63  }
0x7f: {  	_ =	swait.ge [sflag:s13], $0x4000  }
0x80: {  	[sflag:s13] =	ssyncset.done $0x0  }
0x81: {  	s31 =	sadd.s32 s30, s10;
	s0 =	simm.s32 @!p0 $0x8;
	[sflag:s13] =	ssyncadd.s32 $0xFFFFC000  }
0x82: {  	[hbm4b:s31+s3] =	stream.linear.scatter [tilespmem:s12], [sflag:$0x5], $0x4000, $0x38;
	[tilespmem:$0x10100] =	vst v63  }
0x83: {  	_ =	swait.ge @!p0 [sflag:s0], $0x4000  }
0x84: {  	[sflag:s0] =	ssyncset.done @!p0 $0x0  }
0x85: {  	[sflag:s0] =	ssyncadd.s32 @!p0 $0xFFFFC000  }
0x86: {  	v4 =	vld [tilespmem:s8+$0x0];
	_ =	sdelay $0x4  }
0x87: {  	v5 =	vadd.s32 v0, v4  }
0x88: {  	v5 =	vshll.u32 v5, $0x3  }
0x89: {  	v4 =	vand.u32 $0x7, v4;
	v5 =	vand.u32 $0xFFFFFFC0, v5  }
0x8a: {  	v4 =	vor.u32 v4, v5  }
0x8b: {  	v5 =	vperm.xlane v4, v1;
	_ =	sdelay $0x1  }
0x8c: {  	v5 =	vadd.s32 v2, v5;
	_ =	sdelay $0x4  }
0x8d: {  	[tilespmem:s14], [sflag:$0x4] =	stream.indirect_vreg.gather [hbm4b:s1+s3], $0x80, v5, vm0, $0xb8;
	[tilespmem:$0x10100] =	vst v63  }
0x8e: {  	v4 =	vperm.xlane v4, v3  }
0x8f: {  	[tilespmem:s15], [sflag:$0x4] =	stream.indirect_vreg.gather [hbm4b:s5+s3], $0x80, v5, vm0, $0xb8;
	[tilespmem:$0x10100] =	vst v63  }
0x90: {  	v4 =	vadd.s32 v2, v4  }
0x91: {  	[tilespmem:s16], [sflag:$0x4] =	stream.indirect_vreg.gather [hbm4b:s6+s3], $0x80, v5, vm0, $0xb8;
	[tilespmem:$0x10100] =	vst v63  }
0x92: {  	_ = 	snop  }
0x93: {  	[tilespmem:s17], [sflag:$0x4] =	stream.indirect_vreg.gather [hbm4b:s7+s3], $0x80, v5, vm0, $0xb8;
	[tilespmem:$0x10100] =	vst v63  }
0x94: {  	_ = 	snop  }
0x95: {  	[tilespmem:s18], [sflag:$0x4] =	stream.indirect_vreg.gather [hbm4b:s1+s3], $0x80, v4, vm0, $0xb8;
	[tilespmem:$0x10100] =	vst v63  }
0x96: {  	_ = 	snop  }
0x97: {  	[tilespmem:s19], [sflag:$0x4] =	stream.indirect_vreg.gather [hbm4b:s5+s3], $0x80, v4, vm0, $0xb8;
	[tilespmem:$0x10100] =	vst v63  }
0x98: {  	_ = 	snop  }
0x99: {  	[tilespmem:s21], [sflag:$0x4] =	stream.indirect_vreg.gather [hbm4b:s6+s3], $0x80, v4, vm0, $0xb8;
	[tilespmem:$0x10100] =	vst v63  }
0x9a: {  	p0 =	seq.s32 s30, $0x6000  }
0x9b: {  	[tilespmem:s22], [sflag:$0x4] =	stream.indirect_vreg.gather [hbm4b:s7+s3], $0x80, v4, vm0, $0xb8;
	[tilespmem:$0x10100] =	vst v63  }
.Ltmp4:
0x9c: {  	_ = 	snop;
	(pc) =	sbr.rel @p0 .LBB2_4-.Ltmp4, $4  }
0x9d: {  	_ =	swait.ge [sflag:s23], $0x4000  }
0x9e: {  	[sflag:s23] =	ssyncset.done $0x0  }
0x9f: {  	s0 =	sadd.s32 $0x800, s31;
	[sflag:s23] =	ssyncadd.s32 $0xFFFFC000  }
0xa0: {  	[hbm4b:s0+s3] =	stream.linear.scatter [tilespmem:s20], [sflag:$0x6], $0x4000, $0x38;
	[tilespmem:$0x10100] =	vst v63  }
0xa1: {  	_ =	swait.ge [sflag:s26], $0x4000  }
0xa2: {  	[sflag:s26] =	ssyncset.done $0x0  }
0xa3: {  	[sflag:s26] =	ssyncadd.s32 $0xFFFFC000  }
0xa4: {  	v4 =	vld [tilespmem:s8+$0x10];
	_ =	sdelay $0x4  }
0xa5: {  	v5 =	vadd.s32 v0, v4  }
0xa6: {  	v5 =	vshll.u32 v5, $0x3  }
0xa7: {  	v4 =	vand.u32 $0x7, v4;
	v5 =	vand.u32 $0xFFFFFFC0, v5  }
0xa8: {  	v4 =	vor.u32 v4, v5  }
0xa9: {  	v5 =	vperm.xlane v4, v1;
	_ =	sdelay $0x1  }
0xaa: {  	v5 =	vadd.s32 v2, v5;
	_ =	sdelay $0x4  }
0xab: {  	[tilespmem:s12], [sflag:$0x1] =	stream.indirect_vreg.gather [hbm4b:s1+s3], $0x80, v5, vm0, $0xb8;
	[tilespmem:$0x10100] =	vst v63  }
0xac: {  	s0 =	simm.s32 $0x900;
	v4 =	vperm.xlane v4, v3  }
0xad: {  	[tilespmem:s0], [sflag:$0x1] =	stream.indirect_vreg.gather [hbm4b:s5+s3], $0x80, v5, vm0, $0xb8;
	[tilespmem:$0x10100] =	vst v63  }
0xae: {  	v4 =	vadd.s32 v2, v4;
	s0 =	simm.s32 $0x1100  }
0xaf: {  	[tilespmem:s0], [sflag:$0x1] =	stream.indirect_vreg.gather [hbm4b:s6+s3], $0x80, v5, vm0, $0xb8;
	[tilespmem:$0x10100] =	vst v63  }
0xb0: {  	s0 =	simm.s32 $0x1900  }
0xb1: {  	[tilespmem:s0], [sflag:$0x1] =	stream.indirect_vreg.gather [hbm4b:s7+s3], $0x80, v5, vm0, $0xb8;
	[tilespmem:$0x10100] =	vst v63  }
0xb2: {  	s0 =	simm.s32 $0x2100  }
0xb3: {  	[tilespmem:s0], [sflag:$0x1] =	stream.indirect_vreg.gather [hbm4b:s1+s3], $0x80, v4, vm0, $0xb8;
	[tilespmem:$0x10100] =	vst v63  }
0xb4: {  	s0 =	simm.s32 $0x2900  }
0xb5: {  	[tilespmem:s0], [sflag:$0x1] =	stream.indirect_vreg.gather [hbm4b:s5+s3], $0x80, v4, vm0, $0xb8;
	[tilespmem:$0x10100] =	vst v63  }
0xb6: {  	s0 =	simm.s32 $0x3100  }
0xb7: {  	[tilespmem:s0], [sflag:$0x1] =	stream.indirect_vreg.gather [hbm4b:s6+s3], $0x80, v4, vm0, $0xb8;
	[tilespmem:$0x10100] =	vst v63  }
0xb8: {  	s0 =	simm.s32 $0x3900  }
0xb9: {  	[tilespmem:s0], [sflag:$0x1] =	stream.indirect_vreg.gather [hbm4b:s7+s3], $0x80, v4, vm0, $0xb8;
	[tilespmem:$0x10100] =	vst v63  }
0xba: {  	_ =	swait.ge [sflag:s24], $0x4000  }
0xbb: {  	[sflag:s24] =	ssyncset.done $0x0  }
0xbc: {  	s0 =	sadd.s32 $0x1000, s31;
	[sflag:s24] =	ssyncadd.s32 $0xFFFFC000  }
0xbd: {  	[hbm4b:s0+s3] =	stream.linear.scatter [tilespmem:s29], [sflag:$0x7], $0x4000, $0x38;
	[tilespmem:$0x10100] =	vst v63  }
0xbe: {  	_ =	swait.ge [sflag:s28], $0x4000  }
0xbf: {  	[sflag:s28] =	ssyncset.done $0x0  }
0xc0: {  	[sflag:s28] =	ssyncadd.s32 $0xFFFFC000  }
0xc1: {  	v4 =	vld [tilespmem:s8+$0x20];
	_ =	sdelay $0x4  }
0xc2: {  	v5 =	vadd.s32 v0, v4  }
0xc3: {  	v5 =	vshll.u32 v5, $0x3  }
0xc4: {  	v4 =	vand.u32 $0x7, v4;
	v5 =	vand.u32 $0xFFFFFFC0, v5  }
0xc5: {  	v4 =	vor.u32 v4, v5  }
0xc6: {  	v5 =	vperm.xlane v4, v1;
	_ =	sdelay $0x1  }
0xc7: {  	v5 =	vadd.s32 v2, v5;
	_ =	sdelay $0x4  }
0xc8: {  	[tilespmem:s20], [sflag:$0x2] =	stream.indirect_vreg.gather [hbm4b:s1+s3], $0x80, v5, vm0, $0xb8;
	[tilespmem:$0x10100] =	vst v63  }
0xc9: {  	s0 =	simm.s32 $0x4900;
	v4 =	vperm.xlane v4, v3  }
0xca: {  	[tilespmem:s0], [sflag:$0x2] =	stream.indirect_vreg.gather [hbm4b:s5+s3], $0x80, v5, vm0, $0xb8;
	[tilespmem:$0x10100] =	vst v63  }
0xcb: {  	v4 =	vadd.s32 v2, v4;
	s0 =	simm.s32 $0x5100  }
0xcc: {  	[tilespmem:s0], [sflag:$0x2] =	stream.indirect_vreg.gather [hbm4b:s6+s3], $0x80, v5, vm0, $0xb8;
	[tilespmem:$0x10100] =	vst v63  }
0xcd: {  	s0 =	simm.s32 $0x5900  }
0xce: {  	[tilespmem:s0], [sflag:$0x2] =	stream.indirect_vreg.gather [hbm4b:s7+s3], $0x80, v5, vm0, $0xb8;
	[tilespmem:$0x10100] =	vst v63  }
0xcf: {  	s0 =	simm.s32 $0x6100  }
0xd0: {  	[tilespmem:s0], [sflag:$0x2] =	stream.indirect_vreg.gather [hbm4b:s1+s3], $0x80, v4, vm0, $0xb8;
	[tilespmem:$0x10100] =	vst v63  }
0xd1: {  	s0 =	simm.s32 $0x6900  }
0xd2: {  	[tilespmem:s0], [sflag:$0x2] =	stream.indirect_vreg.gather [hbm4b:s5+s3], $0x80, v4, vm0, $0xb8;
	[tilespmem:$0x10100] =	vst v63  }
.Ltmp5:
0xd3: {  	_ = 	snop;
	(pc) =	sbr.rel .LBB2_5-.Ltmp5, $4  }
0xd4: {  	s0 =	simm.s32 $0x7100  }
0xd5: {  	[tilespmem:s0], [sflag:$0x2] =	stream.indirect_vreg.gather [hbm4b:s6+s3], $0x80, v4, vm0, $0xb8;
	[tilespmem:$0x10100] =	vst v63  }
0xd6: {  	s0 =	simm.s32 $0x7900  }
0xd7: {  	[tilespmem:s0], [sflag:$0x2] =	stream.indirect_vreg.gather [hbm4b:s7+s3], $0x80, v4, vm0, $0xb8;
	[tilespmem:$0x10100] =	vst v63  }
.LBB2_7:
0xd8: {  	_ =	sfence.sel $0x180000  }
0xd9: {  	[bflag:$0x0] =	sbarrier.arrive $0xFFFF  }
0xda: {  	_ =	strace $0x90000047  }
0xdb: {  	s0 =	stileid.u32;
	[bflag:$0x2] =	sbarrier.arrive $0xFFFF  }
0xdc: {  	p0 =	sne.s32 s0, $0x0;
	s0 =	rddreg [dreg:$0x3]  }
0xdd: {  	s0 =	sadd.s32 @!p0 $0x100000, s0  }
0xde: {  	[sflag:s0] =	ssyncadd.tile.s32 @!p0 $0x1;
	_ =	shalt  }
.Lfunc_end2:
_tile_overlayer_lowered:
.L_overlay_start_2:
0xdf: {  	(tag) =	ssettag $0x2  }
0xe0: {  	s0 =	rddreg [dreg:$0x0];
	s2 =	stileid.u32  }
0xe1: {  	s1 =	rddreg [dreg:$0x1];
	p0 =	sne.s32 s2, $0x0  }
0xe2: {  	s3 =	rddreg [dreg:$0x2];
	[bflag:$0x3] =	sbarrier.arrive $0xFFFF;
	s2 =	simm.s32 @!p0 $0x1C09  }
0xe3: {  	[timem:s3], [sflag:s2] =	dma.local @!p0 [hbm:s0], s1  }
0xe4: {  	s0 =	simm.s32 @!p0 $0x9  }
0xe5: {  	_ =	swait.ge @!p0 [sflag:s0], s1  }
0xe6: {  	s1 =	ssub.s32 @!p0 $0x0, s1;
	[sflag:s0] =	ssyncset.done @!p0 $0x0  }
0xe7: {  	[sflag:s0] =	ssyncadd.s32 @!p0 s1  }
0xe8: {  	[bflag:$0x3] =	sbarrier.arrive $0xFFFF  }
0xe9: {  	_ =	shalt  }

</sc_bundles>
